<compile_context>
chip_gen: v7x
topology: tpu7x:2x2x1
jax: 0.10.2.dev20260603
libtpu: 0.0.44.dev20260713+nightly
codegen_flags: <defaults>
</compile_context>

<pallas_src>
import functools

import jax
import jax.numpy as jnp
from jax import lax
from jax.experimental import pallas as pl
from jax.experimental.pallas import tpu as pltpu
from jax.experimental.pallas import tpu_sc as plsc

_CH = 384
_B = 32
_MAXF_BITS = 0x7F7FFFFF
_SEL_LANES = 16
_SEL_WORKERS = _CH // _SEL_LANES


def _max_kernel(x_ref, m_ref):
    m_ref[0] = jnp.max(x_ref[...], axis=0, keepdims=True)


def _mid_a_kernel(m_ref, dti_ref, t_ref):
    m = m_ref[...]
    alpha = jax.nn.sigmoid(m)
    beta = 1.0 - alpha

    t = jnp.floor(jnp.sum(jnp.exp(beta - alpha)) / _B).astype(jnp.int32)
    t = jnp.where(t <= 2, 3, t)
    t = jnp.minimum(t, _CH)
    t_ref[...] = jnp.full((1, 128), t, jnp.int32)

    hi = lax.Precision.HIGHEST
    ones_col = jnp.ones((_B, 1), jnp.float32)
    a2_row = jnp.sum(alpha * alpha, axis=0, keepdims=True)
    b2_col = lax.dot_general(beta * beta, ones_col, (((0,), (0,)), ((), ())),
                             precision=hi)
    gt = lax.dot_general(beta, alpha, (((0,), (0,)), ((), ())),
                         precision=hi)
    dt = jnp.sqrt(b2_col + 2.0 * gt + a2_row)
    dti_ref[...] = lax.bitcast_convert_type(dt, jnp.int32)


def _sel_body(dti_hbm, t_hbm, out_hbm, dcols, tv, vtv, stage):
    cc = lax.axis_index("c")
    ss = lax.axis_index("s")
    wid = cc * 16 + ss

    @pl.when(wid < _SEL_WORKERS)
    def _():
        grp = lax.div(wid, 8)
        sub = lax.rem(wid, 8) * _SEL_LANES
        pltpu.sync_copy(dti_hbm.at[:, pl.ds(grp * 128, 128)], dcols)
        pltpu.sync_copy(t_hbm.at[0, pl.ds(0, _SEL_LANES)], tv)
        t_vec = tv[...]

        def body(_, c):
            lo, hi = c
            mid = lo + lax.shift_right_logical(hi - lo, 1)

            def jbody(j, cnt):
                for u in range(8):
                    col = dcols[j * 8 + u, pl.ds(sub, _SEL_LANES)]
                    cnt = cnt + jnp.where(col <= mid, 1, 0)
                return cnt

            cnt = lax.fori_loop(0, _CH // 8, jbody,
                                jnp.zeros((_SEL_LANES,), jnp.int32))
            ok = cnt >= t_vec
            return jnp.where(ok, lo, mid + 1), jnp.where(ok, mid, hi)

        lo0 = jnp.zeros((_SEL_LANES,), jnp.int32)
        hi0 = jnp.full((_SEL_LANES,), _MAXF_BITS, jnp.int32)
        _, res = lax.fori_loop(0, 31, body, (lo0, hi0))
        vtv[...] = lax.bitcast_convert_type(res, jnp.float32)
        pltpu.sync_copy(vtv, stage.at[pl.ds(ss * _SEL_LANES, _SEL_LANES)])

    plsc.subcore_barrier()

    @pl.when(jnp.logical_and(ss == 0, cc == 0))
    def _():
        pltpu.sync_copy(stage.at[pl.ds(0, 256)], out_hbm.at[pl.ds(0, 256)])

    @pl.when(jnp.logical_and(ss == 0, cc == 1))
    def _():
        pltpu.sync_copy(stage.at[pl.ds(0, 128)], out_hbm.at[pl.ds(256, 128)])


def _select_vt(dti, tvec):
    mesh = plsc.VectorSubcoreMesh(core_axis_name="c", subcore_axis_name="s")
    sel = functools.partial(
        pl.kernel,
        mesh=mesh,
        out_type=jax.ShapeDtypeStruct((_CH,), jnp.float32),
        scratch_types=[
            pltpu.VMEM((_CH, 128), jnp.int32),
            pltpu.VMEM((_SEL_LANES,), jnp.int32),
            pltpu.VMEM((_SEL_LANES,), jnp.float32),
            pltpu.VMEM_SHARED((256,), jnp.float32),
        ],
    )(_sel_body)
    return sel(dti, tvec)


def _mid_b_kernel(m_ref, dti_ref, vt_ref, s_ref):
    m = m_ref[...]
    alpha = jax.nn.sigmoid(m)

    hi = lax.Precision.HIGHEST
    ones_row = jnp.ones((1, _CH), jnp.float32)
    dt = lax.bitcast_convert_type(dti_ref[...], jnp.float32)
    vt = vt_ref[...]

    m1 = jnp.min(dt, axis=0, keepdims=True)
    nmin = jnp.sum((dt == m1).astype(jnp.int32), axis=0, keepdims=True)
    m2 = jnp.min(jnp.where(dt > m1, dt, jnp.inf), axis=0, keepdims=True)
    sigma = jnp.where(nmin > 1, m1, m2)

    rr = dt / sigma
    wt = jnp.where(dt < vt, jnp.exp(-(rr * rr)), 0.0)
    wt2 = wt * wt
    rowsq = jnp.sum(wt2, axis=0, keepdims=True)
    colsq = lax.dot_general(ones_row, wt2, (((1,), (1,)), ((), ())),
                            precision=hi)
    ri = lax.broadcasted_iota(jnp.int32, (_CH, _CH), 0)
    ci = lax.broadcasted_iota(jnp.int32, (_CH, _CH), 1)
    wdiag = jnp.sum(jnp.where(ri == ci, wt, 0.0), axis=0, keepdims=True)
    f2 = colsq + rowsq
    eps = jnp.where(f2 > 0.0, wdiag / jnp.sqrt(jnp.maximum(f2, 1e-38)), 0.0)

    s_ref[...] = alpha * (1.0 + eps)


def _scale_kernel(s_ref, x_ref, o_ref):
    o_ref[...] = x_ref[...] * s_ref[...][0]


def kernel(x):
    b, c, h, w = x.shape
    hw = h * w
    xt = jnp.transpose(x, (0, 2, 3, 1)).reshape(b * hw, c)

    m = pl.pallas_call(
        _max_kernel,
        grid=(b,),
        in_specs=[pl.BlockSpec((hw, c), lambda i: (i, 0))],
        out_specs=pl.BlockSpec((1, 1, c), lambda i: (i, 0, 0)),
        out_shape=jax.ShapeDtypeStruct((b, 1, c), jnp.float32),
    )(xt)
    m = m.reshape(b, c)

    dti, tvec = pl.pallas_call(
        _mid_a_kernel,
        out_shape=(
            jax.ShapeDtypeStruct((c, c), jnp.int32),
            jax.ShapeDtypeStruct((1, 128), jnp.int32),
        ),
    )(m)

    vt = _select_vt(dti, tvec)

    scale = pl.pallas_call(
        _mid_b_kernel,
        out_shape=jax.ShapeDtypeStruct((b, c), jnp.float32),
    )(m, dti, vt.reshape(1, c))

    out = pl.pallas_call(
        _scale_kernel,
        grid=(b,),
        in_specs=[
            pl.BlockSpec((1, 1, c), lambda i: (i, 0, 0)),
            pl.BlockSpec((hw, c), lambda i: (i, 0)),
        ],
        out_specs=pl.BlockSpec((hw, c), lambda i: (i, 0)),
        out_shape=jax.ShapeDtypeStruct((b * hw, c), jnp.float32),
    )(scale.reshape(b, 1, c), xt)

    return jnp.transpose(out.reshape(b, h, w, c), (0, 3, 1, 2))

# --- scband reference (transcript-rebuilt; emitter-appended) ---
"""Pipeline reference for scband-la-62818191671581 (READ-ONLY COPY).

The authoritative reference and input builder live on the scoring server;
editing this copy changes nothing except your own understanding.
"""

import jax, jax.numpy as jnp
import numpy as np


def setup_inputs(seed: int = 0) -> dict:
    key = jax.random.key(seed)
    x = jax.random.normal(key, (32, 384, 56, 56), dtype=jnp.float32)
    return {"x": x}


def _weightch(alpha, beta):
    # alpha, beta: [b, ch]
    param = 2
    b, ch = alpha.shape
    # data-dependent k for kthvalue; computed concretely (matches torch int() cast)
    t = jnp.floor(ch * jnp.mean(jnp.exp(beta - alpha))).astype(jnp.int32)
    t = jnp.where(t <= param, param + 1, t)
    t = jnp.minimum(t, ch)  # safety clamp; torch.kthvalue requires k <= ch
    # torch.norm(alpha.unsqueeze(-1) + beta.unsqueeze(1), dim=0) -> [ch, ch]
    distance = jnp.sqrt(jnp.sum((alpha[:, :, None] + beta[:, None, :]) ** 2, axis=0))
    # kthvalue (k-th smallest) along dim=1 via sort
    sorted_d = jnp.sort(distance, axis=1)
    dist_n_top = jnp.take(sorted_d, t - 1, axis=1)[:, None]
    dist_sigma = sorted_d[:, param - 1][:, None]
    # distance.where(distance < dist_n_top, inf)
    distance_truncated = jnp.where(distance < dist_n_top, distance, jnp.inf)
    weight = jnp.exp(-(distance_truncated / dist_sigma) ** 2)
    sym_norm_factor = jnp.sqrt(jnp.sum(weight ** 2, axis=0) + jnp.sum(weight ** 2, axis=1))
    sym_weight = weight / sym_norm_factor  # broadcasts over rows like torch
    sym_weight = (sym_weight + sym_weight.T) / 2.0
    sym_weight = jnp.where(jnp.isnan(sym_weight), jnp.zeros_like(sym_weight), sym_weight)
    return sym_weight


def reference(x):
    identity = x
    b, c, h, w = x.shape
    # max over last two dims, then sigmoid -> [b, c, 1, 1]
    ch_max = jax.nn.sigmoid(jnp.max(x, axis=(-1, -2))[:, :, None, None])
    alpha = ch_max
    beta = 1.0 - alpha
    out0 = _weightch(alpha[:, :, 0, 0], beta[:, :, 0, 0])
    eps = jnp.diag(out0)[None, :, None, None]
    out_c = alpha * (1.0 + eps)
    out = out_c * identity
    return out

if __name__ == "__main__":
    import jax
    _d = setup_inputs()
    print(jax.jit(kernel)(*tuple(_d.values())))

</pallas_src>

<mosaic_0001>
#map = affine_map<(d0, d1) -> (0, 0)>
#map1 = affine_map<(d0, d1) -> (0)>
module attributes {stable_mosaic.version = 14 : i64} {
  func.func @_sel_body(%arg0: i32, %arg1: i32, %arg2: memref<384x384xi32, #tpu.memory_space<hbm>>, %arg3: memref<1x128xi32, #tpu.memory_space<hbm>>, %arg4: memref<384xf32, #tpu.memory_space<hbm>>, %arg5: memref<384x128xi32, #tpu.memory_space<vmem>>, %arg6: memref<16xi32, #tpu.memory_space<vmem>>, %arg7: memref<16xf32, #tpu.memory_space<vmem>>, %arg8: memref<256xf32, #tpu.memory_space<vmem_shared>>) attributes {dimension_semantics = [#tpu.dimension_semantics<core_parallel>, #tpu.dimension_semantics<subcore_parallel>], iteration_bounds = array<i64: 2, 16>, scalar_prefetch = 0 : i64, scratch_operands = 4 : i64, tpu.core_type = #tpu.core_type<sc_vector_subcore>, window_params = [{transform_indices = #map}, {transform_indices = #map}, {transform_indices = #map1}]} {
    %mul3A = arith.constant 16 : i32
    %mul3A_0 = arith.muli %arg0, %mul3A : i32
    %add3A = arith.addi %mul3A_0, %arg1 : i32
    %lt3A = arith.constant 24 : i32
    %lt3A_1 = arith.cmpi slt, %add3A, %lt3A : i32
    %convert_element_type3A = arith.extui %lt3A_1 : i1 to i32
    %cond3A = arith.constant 0 : i32
    %cond3A_2 = arith.cmpi ne, %convert_element_type3A, %cond3A : i32
    scf.if %cond3A_2 {
      %div3A = arith.constant 8 : i32
      %div3A_17 = arith.divsi %add3A, %div3A : i32
      %rem3A = arith.constant 8 : i32
      %rem3A_18 = arith.remsi %add3A, %rem3A : i32
      %mul3A_19 = arith.constant 16 : i32
      %mul3A_20 = arith.muli %rem3A_18, %mul3A_19 : i32
      %mul3A_21 = arith.constant 128 : i32
      %mul3A_22 = arith.muli %div3A_17, %mul3A_21 : i32
      "tpu.region"() ({
        %run_scoped3A_38 = tpu.sem_alloc : memref<!tpu.dma_semaphore, #tpu.memory_space<semaphore_mem>>
        %dma_start3A = arith.constant 0 : i32
        %dma_start3A_39 = tpu.memref_slice %arg2[%dma_start3A, %mul3A_22] : memref<384x384xi32, #tpu.memory_space<hbm>> -> memref<384x128xi32, #tpu.memory_space<hbm>>
        %dma_start3A_40 = arith.constant 0 : i32
        %dma_start3A_41 = tpu.memref_slice %arg2[%dma_start3A_40, %mul3A_22] : memref<384x384xi32, #tpu.memory_space<hbm>> -> memref<384x128xi32, #tpu.memory_space<hbm>>
        tpu.enqueue_dma source(%dma_start3A_41 : memref<384x128xi32, #tpu.memory_space<hbm>>) target(%arg5 : memref<384x128xi32, #tpu.memory_space<vmem>>) target_semaphore(%run_scoped3A_38 : memref<!tpu.dma_semaphore, #tpu.memory_space<semaphore_mem>>)
        %dma_wait3A = arith.constant 0 : i32
        %dma_wait3A_42 = tpu.memref_slice %arg2[%dma_wait3A, %mul3A_22] : memref<384x384xi32, #tpu.memory_space<hbm>> -> memref<384x128xi32, #tpu.memory_space<hbm>>
        %dma_wait3A_43 = arith.constant 0 : i32
        %dma_wait3A_44 = tpu.memref_slice %arg2[%dma_wait3A_43, %mul3A_22] : memref<384x384xi32, #tpu.memory_space<hbm>> -> memref<384x128xi32, #tpu.memory_space<hbm>>
        tpu.wait_dma2 semaphore(%run_scoped3A_38 : memref<!tpu.dma_semaphore, #tpu.memory_space<semaphore_mem>>) src(%dma_wait3A_44 : memref<384x128xi32, #tpu.memory_space<hbm>>) dst(%arg5 : memref<384x128xi32, #tpu.memory_space<vmem>>)
        tpu.yield
      }) : () -> ()
      %run_scoped3A = arith.constant 0 : i32
      "tpu.region"() ({
        %run_scoped3A_38 = tpu.sem_alloc : memref<!tpu.dma_semaphore, #tpu.memory_space<semaphore_mem>>
        %dma_start3A = arith.constant 0 : i32
        %dma_start3A_39 = tpu.memref_slice %arg3[%run_scoped3A, %dma_start3A] : memref<1x128xi32, #tpu.memory_space<hbm>> -> memref<1x16xi32, #tpu.memory_space<hbm>>
        %dma_start3A_40 = tpu.memref_squeeze %dma_start3A_39 : memref<1x16xi32, #tpu.memory_space<hbm>> -> memref<16xi32, #tpu.memory_space<hbm>>
        %dma_start3A_41 = arith.constant 0 : i32
        %dma_start3A_42 = tpu.memref_slice %arg3[%run_scoped3A, %dma_start3A_41] : memref<1x128xi32, #tpu.memory_space<hbm>> -> memref<1x16xi32, #tpu.memory_space<hbm>>
        %dma_start3A_43 = tpu.memref_squeeze %dma_start3A_42 : memref<1x16xi32, #tpu.memory_space<hbm>> -> memref<16xi32, #tpu.memory_space<hbm>>
        tpu.enqueue_dma source(%dma_start3A_43 : memref<16xi32, #tpu.memory_space<hbm>>) target(%arg6 : memref<16xi32, #tpu.memory_space<vmem>>) target_semaphore(%run_scoped3A_38 : memref<!tpu.dma_semaphore, #tpu.memory_space<semaphore_mem>>)
        %dma_wait3A = arith.constant 0 : i32
        %dma_wait3A_44 = tpu.memref_slice %arg3[%run_scoped3A, %dma_wait3A] : memref<1x128xi32, #tpu.memory_space<hbm>> -> memref<1x16xi32, #tpu.memory_space<hbm>>
        %dma_wait3A_45 = tpu.memref_squeeze %dma_wait3A_44 : memref<1x16xi32, #tpu.memory_space<hbm>> -> memref<16xi32, #tpu.memory_space<hbm>>
        %dma_wait3A_46 = arith.constant 0 : i32
        %dma_wait3A_47 = tpu.memref_slice %arg3[%run_scoped3A, %dma_wait3A_46] : memref<1x128xi32, #tpu.memory_space<hbm>> -> memref<1x16xi32, #tpu.memory_space<hbm>>
        %dma_wait3A_48 = tpu.memref_squeeze %dma_wait3A_47 : memref<1x16xi32, #tpu.memory_space<hbm>> -> memref<16xi32, #tpu.memory_space<hbm>>
        tpu.wait_dma2 semaphore(%run_scoped3A_38 : memref<!tpu.dma_semaphore, #tpu.memory_space<semaphore_mem>>) src(%dma_wait3A_48 : memref<16xi32, #tpu.memory_space<hbm>>) dst(%arg6 : memref<16xi32, #tpu.memory_space<vmem>>)
        tpu.yield
      }) : () -> ()
      %get3A = arith.constant 0 : index
      %get3A_23 = tpu.vector_load %arg6[%get3A] {strides = array<i32>} : memref<16xi32, #tpu.memory_space<vmem>>, vector<16xi32>,
      %get3A_24 = vector.shape_cast %get3A_23 : vector<16xi32> to vector<16xi32>
      %broadcast_in_dim3A = arith.constant 0 : i32
      %broadcast_in_dim3A_25 = vector.broadcast %broadcast_in_dim3A : i32 to vector<16xi32>
      %broadcast_in_dim3A_26 = arith.constant 2139095039 : i32
      %broadcast_in_dim3A_27 = vector.broadcast %broadcast_in_dim3A_26 : i32 to vector<16xi32>
      %scan3A = arith.constant 0 : i32
      %scan3A_28 = arith.constant 31 : i32
      %scan3A_29 = arith.addi %scan3A, %scan3A_28 : i32
      %scan3A_30 = arith.constant 1 : i32
      %scan3A_31:2 = scf.for %scan3A_38 = %scan3A to %scan3A_29 step %scan3A_30 iter_args(%scan3A_39 = %broadcast_in_dim3A_25, %scan3A_40 = %broadcast_in_dim3A_27) -> (vector<16xi32>, vector<16xi32>)  : i32 {
        %sub3A = arith.subi %scan3A_40, %scan3A_39 : vector<16xi32>
        %shift_right_logical3A = arith.constant 1 : i32
        %shift_right_logical3A_41 = vector.broadcast %shift_right_logical3A : i32 to vector<16xi32>
        %shift_right_logical3A_42 = arith.shrui %sub3A, %shift_right_logical3A_41 : vector<16xi32>
        %add3A_43 = arith.addi %scan3A_39, %shift_right_logical3A_42 : vector<16xi32>
        %broadcast_in_dim3A_44 = arith.constant 0 : i32
        %broadcast_in_dim3A_45 = vector.broadcast %broadcast_in_dim3A_44 : i32 to vector<16xi32>
        %scan3A_46 = arith.constant 0 : i32
        %scan3A_47 = arith.constant 48 : i32
        %scan3A_48 = arith.addi %scan3A_46, %scan3A_47 : i32
        %scan3A_49 = arith.constant 1 : i32
        %scan3A_50 = scf.for %scan3A_56 = %scan3A_46 to %scan3A_48 step %scan3A_49 iter_args(%scan3A_57 = %broadcast_in_dim3A_45) -> (vector<16xi32>)  : i32 {
          %mul3A_58 = arith.constant 8 : i32
          %mul3A_59 = arith.muli %scan3A_56, %mul3A_58 : i32
          %add3A_60 = arith.constant 0 : i32
          %add3A_61 = arith.addi %mul3A_59, %add3A_60 : i32
          %get3A_62 = arith.index_cast %add3A_61 : i32 to index
          %get3A_63 = arith.index_cast %mul3A_20 : i32 to index
          %get3A_64 = tpu.vector_load %arg5[%get3A_62, %get3A_63] {strides = array<i32>} : memref<384x128xi32, #tpu.memory_space<vmem>>, vector<1x16xi32>,
          %get3A_65 = vector.shape_cast %get3A_64 : vector<1x16xi32> to vector<16xi32>
          %le3A = arith.cmpi sle, %get3A_65, %add3A_43 : vector<16xi32>
          %jit3A = arith.constant 1 : i32
          %jit3A_66 = arith.constant 0 : i32
          %broadcast_in_dim3A_67 = vector.broadcast %jit3A : i32 to vector<16xi32>
          %broadcast_in_dim3A_68 = vector.broadcast %jit3A_66 : i32 to vector<16xi32>
          %select_n3A_69 = arith.select %le3A, %broadcast_in_dim3A_67, %broadcast_in_dim3A_68 : vector<16xi1>, vector<16xi32>
          %add3A_70 = arith.addi %scan3A_57, %select_n3A_69 : vector<16xi32>
          %mul3A_71 = arith.constant 8 : i32
          %mul3A_72 = arith.muli %scan3A_56, %mul3A_71 : i32
          %add3A_73 = arith.constant 1 : i32
          %add3A_74 = arith.addi %mul3A_72, %add3A_73 : i32
          %get3A_75 = arith.index_cast %add3A_74 : i32 to index
          %get3A_76 = arith.index_cast %mul3A_20 : i32 to index
          %get3A_77 = tpu.vector_load %arg5[%get3A_75, %get3A_76] {strides = array<i32>} : memref<384x128xi32, #tpu.memory_space<vmem>>, vector<1x16xi32>,
          %get3A_78 = vector.shape_cast %get3A_77 : vector<1x16xi32> to vector<16xi32>
          %le3A_79 = arith.cmpi sle, %get3A_78, %add3A_43 : vector<16xi32>
          %jit3A_80 = arith.constant 1 : i32
          %jit3A_81 = arith.constant 0 : i32
          %broadcast_in_dim3A_82 = vector.broadcast %jit3A_80 : i32 to vector<16xi32>
          %broadcast_in_dim3A_83 = vector.broadcast %jit3A_81 : i32 to vector<16xi32>
          %select_n3A_84 = arith.select %le3A_79, %broadcast_in_dim3A_82, %broadcast_in_dim3A_83 : vector<16xi1>, vector<16xi32>
          %add3A_85 = arith.addi %add3A_70, %select_n3A_84 : vector<16xi32>
          %mul3A_86 = arith.constant 8 : i32
          %mul3A_87 = arith.muli %scan3A_56, %mul3A_86 : i32
          %add3A_88 = arith.constant 2 : i32
          %add3A_89 = arith.addi %mul3A_87, %add3A_88 : i32
          %get3A_90 = arith.index_cast %add3A_89 : i32 to index
          %get3A_91 = arith.index_cast %mul3A_20 : i32 to index
          %get3A_92 = tpu.vector_load %arg5[%get3A_90, %get3A_91] {strides = array<i32>} : memref<384x128xi32, #tpu.memory_space<vmem>>, vector<1x16xi32>,
          %get3A_93 = vector.shape_cast %get3A_92 : vector<1x16xi32> to vector<16xi32>
          %le3A_94 = arith.cmpi sle, %get3A_93, %add3A_43 : vector<16xi32>
          %jit3A_95 = arith.constant 1 : i32
          %jit3A_96 = arith.constant 0 : i32
          %broadcast_in_dim3A_97 = vector.broadcast %jit3A_95 : i32 to vector<16xi32>
          %broadcast_in_dim3A_98 = vector.broadcast %jit3A_96 : i32 to vector<16xi32>
          %select_n3A_99 = arith.select %le3A_94, %broadcast_in_dim3A_97, %broadcast_in_dim3A_98 : vector<16xi1>, vector<16xi32>
          %add3A_100 = arith.addi %add3A_85, %select_n3A_99 : vector<16xi32>
          %mul3A_101 = arith.constant 8 : i32
          %mul3A_102 = arith.muli %scan3A_56, %mul3A_101 : i32
          %add3A_103 = arith.constant 3 : i32
          %add3A_104 = arith.addi %mul3A_102, %add3A_103 : i32
          %get3A_105 = arith.index_cast %add3A_104 : i32 to index
          %get3A_106 = arith.index_cast %mul3A_20 : i32 to index
          %get3A_107 = tpu.vector_load %arg5[%get3A_105, %get3A_106] {strides = array<i32>} : memref<384x128xi32, #tpu.memory_space<vmem>>, vector<1x16xi32>,
          %get3A_108 = vector.shape_cast %get3A_107 : vector<1x16xi32> to vector<16xi32>
          %le3A_109 = arith.cmpi sle, %get3A_108, %add3A_43 : vector<16xi32>
          %jit3A_110 = arith.constant 1 : i32
          %jit3A_111 = arith.constant 0 : i32
          %broadcast_in_dim3A_112 = vector.broadcast %jit3A_110 : i32 to vector<16xi32>
          %broadcast_in_dim3A_113 = vector.broadcast %jit3A_111 : i32 to vector<16xi32>
          %select_n3A_114 = arith.select %le3A_109, %broadcast_in_dim3A_112, %broadcast_in_dim3A_113 : vector<16xi1>, vector<16xi32>
          %add3A_115 = arith.addi %add3A_100, %select_n3A_114 : vector<16xi32>
          %mul3A_116 = arith.constant 8 : i32
          %mul3A_117 = arith.muli %scan3A_56, %mul3A_116 : i32
          %add3A_118 = arith.constant 4 : i32
          %add3A_119 = arith.addi %mul3A_117, %add3A_118 : i32
          %get3A_120 = arith.index_cast %add3A_119 : i32 to index
          %get3A_121 = arith.index_cast %mul3A_20 : i32 to index
          %get3A_122 = tpu.vector_load %arg5[%get3A_120, %get3A_121] {strides = array<i32>} : memref<384x128xi32, #tpu.memory_space<vmem>>, vector<1x16xi32>,
          %get3A_123 = vector.shape_cast %get3A_122 : vector<1x16xi32> to vector<16xi32>
          %le3A_124 = arith.cmpi sle, %get3A_123, %add3A_43 : vector<16xi32>
          %jit3A_125 = arith.constant 1 : i32
          %jit3A_126 = arith.constant 0 : i32
          %broadcast_in_dim3A_127 = vector.broadcast %jit3A_125 : i32 to vector<16xi32>
          %broadcast_in_dim3A_128 = vector.broadcast %jit3A_126 : i32 to vector<16xi32>
          %select_n3A_129 = arith.select %le3A_124, %broadcast_in_dim3A_127, %broadcast_in_dim3A_128 : vector<16xi1>, vector<16xi32>
          %add3A_130 = arith.addi %add3A_115, %select_n3A_129 : vector<16xi32>
          %mul3A_131 = arith.constant 8 : i32
          %mul3A_132 = arith.muli %scan3A_56, %mul3A_131 : i32
          %add3A_133 = arith.constant 5 : i32
          %add3A_134 = arith.addi %mul3A_132, %add3A_133 : i32
          %get3A_135 = arith.index_cast %add3A_134 : i32 to index
          %get3A_136 = arith.index_cast %mul3A_20 : i32 to index
          %get3A_137 = tpu.vector_load %arg5[%get3A_135, %get3A_136] {strides = array<i32>} : memref<384x128xi32, #tpu.memory_space<vmem>>, vector<1x16xi32>,
          %get3A_138 = vector.shape_cast %get3A_137 : vector<1x16xi32> to vector<16xi32>
          %le3A_139 = arith.cmpi sle, %get3A_138, %add3A_43 : vector<16xi32>
          %jit3A_140 = arith.constant 1 : i32
          %jit3A_141 = arith.constant 0 : i32
          %broadcast_in_dim3A_142 = vector.broadcast %jit3A_140 : i32 to vector<16xi32>
          %broadcast_in_dim3A_143 = vector.broadcast %jit3A_141 : i32 to vector<16xi32>
          %select_n3A_144 = arith.select %le3A_139, %broadcast_in_dim3A_142, %broadcast_in_dim3A_143 : vector<16xi1>, vector<16xi32>
          %add3A_145 = arith.addi %add3A_130, %select_n3A_144 : vector<16xi32>
          %mul3A_146 = arith.constant 8 : i32
          %mul3A_147 = arith.muli %scan3A_56, %mul3A_146 : i32
          %add3A_148 = arith.constant 6 : i32
          %add3A_149 = arith.addi %mul3A_147, %add3A_148 : i32
          %get3A_150 = arith.index_cast %add3A_149 : i32 to index
          %get3A_151 = arith.index_cast %mul3A_20 : i32 to index
          %get3A_152 = tpu.vector_load %arg5[%get3A_150, %get3A_151] {strides = array<i32>} : memref<384x128xi32, #tpu.memory_space<vmem>>, vector<1x16xi32>,
          %get3A_153 = vector.shape_cast %get3A_152 : vector<1x16xi32> to vector<16xi32>
          %le3A_154 = arith.cmpi sle, %get3A_153, %add3A_43 : vector<16xi32>
          %jit3A_155 = arith.constant 1 : i32
          %jit3A_156 = arith.constant 0 : i32
          %broadcast_in_dim3A_157 = vector.broadcast %jit3A_155 : i32 to vector<16xi32>
          %broadcast_in_dim3A_158 = vector.broadcast %jit3A_156 : i32 to vector<16xi32>
          %select_n3A_159 = arith.select %le3A_154, %broadcast_in_dim3A_157, %broadcast_in_dim3A_158 : vector<16xi1>, vector<16xi32>
          %add3A_160 = arith.addi %add3A_145, %select_n3A_159 : vector<16xi32>
          %mul3A_161 = arith.constant 8 : i32
          %mul3A_162 = arith.muli %scan3A_56, %mul3A_161 : i32
          %add3A_163 = arith.constant 7 : i32
          %add3A_164 = arith.addi %mul3A_162, %add3A_163 : i32
          %get3A_165 = arith.index_cast %add3A_164 : i32 to index
          %get3A_166 = arith.index_cast %mul3A_20 : i32 to index
          %get3A_167 = tpu.vector_load %arg5[%get3A_165, %get3A_166] {strides = array<i32>} : memref<384x128xi32, #tpu.memory_space<vmem>>, vector<1x16xi32>,
          %get3A_168 = vector.shape_cast %get3A_167 : vector<1x16xi32> to vector<16xi32>
          %le3A_169 = arith.cmpi sle, %get3A_168, %add3A_43 : vector<16xi32>
          %jit3A_170 = arith.constant 1 : i32
          %jit3A_171 = arith.constant 0 : i32
          %broadcast_in_dim3A_172 = vector.broadcast %jit3A_170 : i32 to vector<16xi32>
          %broadcast_in_dim3A_173 = vector.broadcast %jit3A_171 : i32 to vector<16xi32>
          %select_n3A_174 = arith.select %le3A_169, %broadcast_in_dim3A_172, %broadcast_in_dim3A_173 : vector<16xi1>, vector<16xi32>
          %add3A_175 = arith.addi %add3A_160, %select_n3A_174 : vector<16xi32>
          scf.yield %add3A_175 : vector<16xi32>
        }
        %scan3A_51 = arith.constant 48 : i32
        %ge3A = arith.cmpi sge, %scan3A_50, %get3A_24 : vector<16xi32>
        %add3A_52 = arith.constant 1 : i32
        %add3A_53 = vector.broadcast %add3A_52 : i32 to vector<16xi32>
        %add3A_54 = arith.addi %add3A_43, %add3A_53 : vector<16xi32>
        %select_n3A = arith.select %ge3A, %scan3A_39, %add3A_54 : vector<16xi1>, vector<16xi32>
        %select_n3A_55 = arith.select %ge3A, %add3A_43, %scan3A_40 : vector<16xi1>, vector<16xi32>
        scf.yield %select_n3A, %select_n3A_55 : vector<16xi32>, vector<16xi32>
      }
      %scan3A_32 = arith.constant 31 : i32
      %bitcast_convert_type3A = tpu.bitcast %scan3A_31#1 : vector<16xi32> -> vector<16xf32>
      %swap3A = arith.constant 0 : index
      %swap3A_33 = tpu.vector_load %arg7[%swap3A] {strides = array<i32>} : memref<16xf32, #tpu.memory_space<vmem>>, vector<16xf32>,
      %swap3A_34 = vector.shape_cast %swap3A_33 : vector<16xf32> to vector<16xf32>
      %swap3A_35 = vector.shape_cast %bitcast_convert_type3A : vector<16xf32> to vector<16xf32>
      tpu.vector_store %arg7[%swap3A], %swap3A_35 {strides = array<i32>} : memref<16xf32, #tpu.memory_space<vmem>>, vector<16xf32>,
      %mul3A_36 = arith.constant 16 : i32
      %mul3A_37 = arith.muli %arg1, %mul3A_36 : i32
      "tpu.region"() ({
        %run_scoped3A_38 = tpu.sem_alloc : memref<!tpu.dma_semaphore, #tpu.memory_space<semaphore_mem>>
        %dma_start3A = tpu.memref_slice %arg8[%mul3A_37] : memref<256xf32, #tpu.memory_space<vmem_shared>> -> memref<16xf32, #tpu.memory_space<vmem_shared>>
        %dma_start3A_39 = tpu.memref_slice %arg8[%mul3A_37] : memref<256xf32, #tpu.memory_space<vmem_shared>> -> memref<16xf32, #tpu.memory_space<vmem_shared>>
        tpu.enqueue_dma source(%arg7 : memref<16xf32, #tpu.memory_space<vmem>>) target(%dma_start3A_39 : memref<16xf32, #tpu.memory_space<vmem_shared>>) target_semaphore(%run_scoped3A_38 : memref<!tpu.dma_semaphore, #tpu.memory_space<semaphore_mem>>)
        %dma_wait3A = tpu.memref_slice %arg8[%mul3A_37] : memref<256xf32, #tpu.memory_space<vmem_shared>> -> memref<16xf32, #tpu.memory_space<vmem_shared>>
        %dma_wait3A_40 = tpu.memref_slice %arg8[%mul3A_37] : memref<256xf32, #tpu.memory_space<vmem_shared>> -> memref<16xf32, #tpu.memory_space<vmem_shared>>
        tpu.wait_dma2 semaphore(%run_scoped3A_38 : memref<!tpu.dma_semaphore, #tpu.memory_space<semaphore_mem>>) src(%arg7 : memref<16xf32, #tpu.memory_space<vmem>>) dst(%dma_wait3A_40 : memref<16xf32, #tpu.memory_space<vmem_shared>>)
        tpu.yield
      }) : () -> ()
    } else {
    }
    %barrier3A = arith.constant 0 : index
    tpu.barrier barrier_id(%barrier3A)
    %eq3A = arith.constant 0 : i32
    %eq3A_3 = arith.cmpi eq, %arg1, %eq3A : i32
    %eq3A_4 = arith.constant 0 : i32
    %eq3A_5 = arith.cmpi eq, %arg0, %eq3A_4 : i32
    %and3A = arith.andi %eq3A_3, %eq3A_5 : i1
    %convert_element_type3A_6 = arith.extui %and3A : i1 to i32
    %cond3A_7 = arith.constant 0 : i32
    %cond3A_8 = arith.cmpi ne, %convert_element_type3A_6, %cond3A_7 : i32
    scf.if %cond3A_8 {
      "tpu.region"() ({
        %run_scoped3A = tpu.sem_alloc : memref<!tpu.dma_semaphore, #tpu.memory_space<semaphore_mem>>
        %dma_start3A = arith.constant 0 : i32
        %dma_start3A_17 = tpu.memref_slice %arg4[%dma_start3A] : memref<384xf32, #tpu.memory_space<hbm>> -> memref<256xf32, #tpu.memory_space<hbm>>
        %dma_start3A_18 = arith.constant 0 : i32
        %dma_start3A_19 = tpu.memref_slice %arg8[%dma_start3A_18] : memref<256xf32, #tpu.memory_space<vmem_shared>> -> memref<256xf32, #tpu.memory_space<vmem_shared>>
        tpu.enqueue_dma source(%dma_start3A_19 : memref<256xf32, #tpu.memory_space<vmem_shared>>) target(%dma_start3A_17 : memref<256xf32, #tpu.memory_space<hbm>>) target_semaphore(%run_scoped3A : memref<!tpu.dma_semaphore, #tpu.memory_space<semaphore_mem>>)
        %dma_wait3A = arith.constant 0 : i32
        %dma_wait3A_20 = tpu.memref_slice %arg4[%dma_wait3A] : memref<384xf32, #tpu.memory_space<hbm>> -> memref<256xf32, #tpu.memory_space<hbm>>
        %dma_wait3A_21 = arith.constant 0 : i32
        %dma_wait3A_22 = tpu.memref_slice %arg8[%dma_wait3A_21] : memref<256xf32, #tpu.memory_space<vmem_shared>> -> memref<256xf32, #tpu.memory_space<vmem_shared>>
        tpu.wait_dma2 semaphore(%run_scoped3A : memref<!tpu.dma_semaphore, #tpu.memory_space<semaphore_mem>>) src(%dma_wait3A_22 : memref<256xf32, #tpu.memory_space<vmem_shared>>) dst(%dma_wait3A_20 : memref<256xf32, #tpu.memory_space<hbm>>)
        tpu.yield
      }) : () -> ()
    } else {
    }
    %eq3A_9 = arith.constant 0 : i32
    %eq3A_10 = arith.cmpi eq, %arg1, %eq3A_9 : i32
    %eq3A_11 = arith.constant 1 : i32
    %eq3A_12 = arith.cmpi eq, %arg0, %eq3A_11 : i32
    %and3A_13 = arith.andi %eq3A_10, %eq3A_12 : i1
    %convert_element_type3A_14 = arith.extui %and3A_13 : i1 to i32
    %cond3A_15 = arith.constant 0 : i32
    %cond3A_16 = arith.cmpi ne, %convert_element_type3A_14, %cond3A_15 : i32
    scf.if %cond3A_16 {
      "tpu.region"() ({
        %run_scoped3A = tpu.sem_alloc : memref<!tpu.dma_semaphore, #tpu.memory_space<semaphore_mem>>
        %dma_start3A = arith.constant 256 : i32
        %dma_start3A_17 = tpu.memref_slice %arg4[%dma_start3A] : memref<384xf32, #tpu.memory_space<hbm>> -> memref<128xf32, #tpu.memory_space<hbm>>
        %dma_start3A_18 = arith.constant 0 : i32
        %dma_start3A_19 = tpu.memref_slice %arg8[%dma_start3A_18] : memref<256xf32, #tpu.memory_space<vmem_shared>> -> memref<128xf32, #tpu.memory_space<vmem_shared>>
        tpu.enqueue_dma source(%dma_start3A_19 : memref<128xf32, #tpu.memory_space<vmem_shared>>) target(%dma_start3A_17 : memref<128xf32, #tpu.memory_space<hbm>>) target_semaphore(%run_scoped3A : memref<!tpu.dma_semaphore, #tpu.memory_space<semaphore_mem>>)
        %dma_wait3A = arith.constant 256 : i32
        %dma_wait3A_20 = tpu.memref_slice %arg4[%dma_wait3A] : memref<384xf32, #tpu.memory_space<hbm>> -> memref<128xf32, #tpu.memory_space<hbm>>
        %dma_wait3A_21 = arith.constant 0 : i32
        %dma_wait3A_22 = tpu.memref_slice %arg8[%dma_wait3A_21] : memref<256xf32, #tpu.memory_space<vmem_shared>> -> memref<128xf32, #tpu.memory_space<vmem_shared>>
        tpu.wait_dma2 semaphore(%run_scoped3A : memref<!tpu.dma_semaphore, #tpu.memory_space<semaphore_mem>>) src(%dma_wait3A_22 : memref<128xf32, #tpu.memory_space<vmem_shared>>) dst(%dma_wait3A_20 : memref<128xf32, #tpu.memory_space<hbm>>)
        tpu.yield
      }) : () -> ()
    } else {
    }
    return
  }
}

module attributes {stable_mosaic.version = 14 : i64} {
  func.func @_max_kernel(%arg0: i32, %arg1: memref<3136x384xf32, #tpu.memory_space<vmem>>, %arg2: memref<1x1x384xf32, #tpu.memory_space<vmem>>) attributes {dimension_semantics = [#tpu.dimension_semantics<arbitrary>], iteration_bounds = array<i64: 32>, scalar_prefetch = 0 : i64, scratch_operands = 0 : i64, tpu.core_type = #tpu.core_type<tc>, window_params = [{transform_indices = @transform_0, window_bounds = array<i64: 3136, 384>}, {transform_indices = @transform_1, window_bounds = array<i64: 1, 1, 384>}]} {
    %get3A = arith.constant 0 : index
    %get3A_0 = arith.constant 0 : index
    %get3A_1 = vector.load %arg1[%get3A, %get3A_0] : memref<3136x384xf32, #tpu.memory_space<vmem>>, vector<3136x384xf32>
    %reduce_max3A = arith.constant dense<0xFF800000> : vector<384xf32>
    %reduce_max3A_2 = vector.multi_reduction <maximumf>, %get3A_1, %reduce_max3A [0] : vector<3136x384xf32> to vector<384xf32>
    %broadcast_in_dim3A = vector.shape_cast %reduce_max3A_2 : vector<384xf32> to vector<1x384xf32>
    %swap3A = arith.constant 0 : index
    %swap3A_3 = arith.constant 0 : index
    %swap3A_4 = arith.constant 0 : index
    %swap3A_5 = vector.load %arg2[%swap3A, %swap3A_3, %swap3A_4] : memref<1x1x384xf32, #tpu.memory_space<vmem>>, vector<1x1x384xf32>
    %swap3A_6 = vector.shape_cast %swap3A_5 : vector<1x1x384xf32> to vector<1x384xf32>
    %swap3A_7 = vector.shape_cast %broadcast_in_dim3A : vector<1x384xf32> to vector<1x1x384xf32>
    tpu.vector_store %arg2[%swap3A, %swap3A_3, %swap3A_4], %swap3A_7 {strides = array<i32>} : memref<1x1x384xf32, #tpu.memory_space<vmem>>, vector<1x1x384xf32>,
    return
  }
  func.func @transform_0(%arg0: i32) -> (i32, i32) {
    %c0_i32 = arith.constant 0 : i32
    %c0_i32_0 = arith.constant 0 : i32
    return %arg0, %c0_i32 : i32, i32
  }
  func.func @transform_1(%arg0: i32) -> (i32, i32, i32) {
    %c0_i32 = arith.constant 0 : i32
    %c0_i32_0 = arith.constant 0 : i32
    %c0_i32_1 = arith.constant 0 : i32
    return %arg0, %c0_i32, %c0_i32_0 : i32, i32, i32
  }
}

module attributes {stable_mosaic.version = 14 : i64} {
  func.func @_mid_b_kernel(%arg0: memref<32x384xf32, #tpu.memory_space<vmem>>, %arg1: memref<384x384xi32, #tpu.memory_space<vmem>>, %arg2: memref<1x384xf32, #tpu.memory_space<vmem>>, %arg3: memref<32x384xf32, #tpu.memory_space<vmem>>) attributes {dimension_semantics = [], scalar_prefetch = 0 : i64, scratch_operands = 0 : i64, tpu.core_type = #tpu.core_type<tc>} {
    %get3A = arith.constant 0 : index
    %get3A_0 = arith.constant 0 : index
    %get3A_1 = vector.load %arg0[%get3A, %get3A_0] : memref<32x384xf32, #tpu.memory_space<vmem>>, vector<32x384xf32>
    %logistic3A = arith.negf %get3A_1 : vector<32x384xf32>
    %logistic3A_2 = math.exp %logistic3A : vector<32x384xf32>
    %logistic3A_3 = arith.constant 1.000000e+00 : f32
    %logistic3A_4 = vector.broadcast %logistic3A_3 : f32 to vector<32x384xf32>
    %logistic3A_5 = arith.addf %logistic3A_4, %logistic3A_2 : vector<32x384xf32>
    %logistic3A_6 = arith.divf %logistic3A_4, %logistic3A_5 : vector<32x384xf32>
    %broadcast_in_dim3A = arith.constant 1.000000e+00 : f32
    %broadcast_in_dim3A_7 = vector.broadcast %broadcast_in_dim3A : f32 to vector<1x384xf32>
    %get3A_8 = arith.constant 0 : index
    %get3A_9 = arith.constant 0 : index
    %get3A_10 = vector.load %arg1[%get3A_8, %get3A_9] : memref<384x384xi32, #tpu.memory_space<vmem>>, vector<384x384xi32>
    %bitcast_convert_type3A = tpu.bitcast %get3A_10 : vector<384x384xi32> -> vector<384x384xf32>
    %get3A_11 = arith.constant 0 : index
    %get3A_12 = arith.constant 0 : index
    %get3A_13 = vector.load %arg2[%get3A_11, %get3A_12] : memref<1x384xf32, #tpu.memory_space<vmem>>, vector<1x384xf32>
    %reduce_min3A = arith.constant dense<0x7F800000> : vector<384xf32>
    %reduce_min3A_14 = vector.multi_reduction <minimumf>, %bitcast_convert_type3A, %reduce_min3A [0] : vector<384x384xf32> to vector<384xf32>
    %broadcast_in_dim3A_15 = vector.shape_cast %reduce_min3A_14 : vector<384xf32> to vector<1x384xf32>
    %eq3A = vector.broadcast %broadcast_in_dim3A_15 : vector<1x384xf32> to vector<384x384xf32>
    %eq3A_16 = arith.cmpf oeq, %bitcast_convert_type3A, %eq3A : vector<384x384xf32>
    %convert_element_type3A = arith.extui %eq3A_16 : vector<384x384xi1> to vector<384x384xi32>
    %reduce_sum3A = arith.constant dense<0> : vector<384xi32>
    %reduce_sum3A_17 = vector.multi_reduction <add>, %convert_element_type3A, %reduce_sum3A [0] : vector<384x384xi32> to vector<384xi32>
    %broadcast_in_dim3A_18 = vector.shape_cast %reduce_sum3A_17 : vector<384xi32> to vector<1x384xi32>
    %gt3A = vector.broadcast %broadcast_in_dim3A_15 : vector<1x384xf32> to vector<384x384xf32>
    %gt3A_19 = arith.cmpf ogt, %bitcast_convert_type3A, %gt3A : vector<384x384xf32>
    %jit3A = arith.constant 0x7F800000 : f32
    %broadcast_in_dim3A_20 = vector.broadcast %jit3A : f32 to vector<384x384xf32>
    %select_n3A = arith.select %gt3A_19, %bitcast_convert_type3A, %broadcast_in_dim3A_20 : vector<384x384xi1>, vector<384x384xf32>
    %reduce_min3A_21 = arith.constant dense<0x7F800000> : vector<384xf32>
    %reduce_min3A_22 = vector.multi_reduction <minimumf>, %select_n3A, %reduce_min3A_21 [0] : vector<384x384xf32> to vector<384xf32>
    %broadcast_in_dim3A_23 = vector.shape_cast %reduce_min3A_22 : vector<384xf32> to vector<1x384xf32>
    %gt3A_24 = arith.constant 1 : i32
    %gt3A_25 = vector.broadcast %gt3A_24 : i32 to vector<1x384xi32>
    %gt3A_26 = arith.cmpi sgt, %broadcast_in_dim3A_18, %gt3A_25 : vector<1x384xi32>
    %select_n3A_27 = arith.select %gt3A_26, %broadcast_in_dim3A_15, %broadcast_in_dim3A_23 : vector<1x384xi1>, vector<1x384xf32>
    %div3A = vector.broadcast %select_n3A_27 : vector<1x384xf32> to vector<384x384xf32>
    %div3A_28 = arith.divf %bitcast_convert_type3A, %div3A : vector<384x384xf32>
    %lt3A = vector.broadcast %get3A_13 : vector<1x384xf32> to vector<384x384xf32>
    %lt3A_29 = arith.cmpf olt, %bitcast_convert_type3A, %lt3A : vector<384x384xf32>
    %mul3A = arith.mulf %div3A_28, %div3A_28 : vector<384x384xf32>
    %neg3A = arith.constant 0.000000e+00 : f32
    %neg3A_30 = vector.broadcast %neg3A : f32 to vector<384x384xf32>
    %neg3A_31 = arith.subf %neg3A_30, %mul3A : vector<384x384xf32>
    %exp3A = math.exp %neg3A_31 : vector<384x384xf32>
    %jit3A_32 = arith.constant 0.000000e+00 : f32
    %broadcast_in_dim3A_33 = vector.broadcast %jit3A_32 : f32 to vector<384x384xf32>
    %select_n3A_34 = arith.select %lt3A_29, %exp3A, %broadcast_in_dim3A_33 : vector<384x384xi1>, vector<384x384xf32>
    %mul3A_35 = arith.mulf %select_n3A_34, %select_n3A_34 : vector<384x384xf32>
    %reduce_sum3A_36 = arith.constant dense<0.000000e+00> : vector<384xf32>
    %reduce_sum3A_37 = vector.multi_reduction <add>, %mul3A_35, %reduce_sum3A_36 [0] : vector<384x384xf32> to vector<384xf32>
    %broadcast_in_dim3A_38 = vector.shape_cast %reduce_sum3A_37 : vector<384xf32> to vector<1x384xf32>
    %dot_general3A = arith.constant dense<0.000000e+00> : vector<1x384xf32>
    %dot_general3A_39 = tpu.matmul %broadcast_in_dim3A_7, %mul3A_35, %dot_general3A {dimension_numbers = #tpu.dot_dimension_numbers<[1], [1], [0], [0], [0, 0, 1, 0], [], []>, precision = #tpu.contract_precision<fp32>, transpose_lhs_hint = false} : vector<1x384xf32>, vector<384x384xf32>, vector<1x384xf32> -> vector<1x384xf32>
    %iota3A = tpu.iota {dimensions = array<i32: 0>} : vector<384x384xi32>
    %iota3A_40 = tpu.iota {dimensions = array<i32: 1>} : vector<384x384xi32>
    %eq3A_41 = arith.cmpi eq, %iota3A, %iota3A_40 : vector<384x384xi32>
    %jit3A_42 = arith.constant 0.000000e+00 : f32
    %broadcast_in_dim3A_43 = vector.broadcast %jit3A_42 : f32 to vector<384x384xf32>
    %select_n3A_44 = arith.select %eq3A_41, %select_n3A_34, %broadcast_in_dim3A_43 : vector<384x384xi1>, vector<384x384xf32>
    %reduce_sum3A_45 = arith.constant dense<0.000000e+00> : vector<384xf32>
    %reduce_sum3A_46 = vector.multi_reduction <add>, %select_n3A_44, %reduce_sum3A_45 [0] : vector<384x384xf32> to vector<384xf32>
    %broadcast_in_dim3A_47 = vector.shape_cast %reduce_sum3A_46 : vector<384xf32> to vector<1x384xf32>
    %add3A = arith.addf %dot_general3A_39, %broadcast_in_dim3A_38 : vector<1x384xf32>
    %gt3A_48 = arith.constant 0.000000e+00 : f32
    %gt3A_49 = vector.broadcast %gt3A_48 : f32 to vector<1x384xf32>
    %gt3A_50 = arith.cmpf ogt, %add3A, %gt3A_49 : vector<1x384xf32>
    %max3A = arith.constant 9.99999935E-39 : f32
    %max3A_51 = vector.broadcast %max3A : f32 to vector<1x384xf32>
    %max3A_52 = arith.maximumf %add3A, %max3A_51 : vector<1x384xf32>
    %sqrt3A = math.sqrt %max3A_52 : vector<1x384xf32>
    %div3A_53 = arith.divf %broadcast_in_dim3A_47, %sqrt3A : vector<1x384xf32>
    %jit3A_54 = arith.constant 0.000000e+00 : f32
    %broadcast_in_dim3A_55 = vector.broadcast %jit3A_54 : f32 to vector<1x384xf32>
    %select_n3A_56 = arith.select %gt3A_50, %div3A_53, %broadcast_in_dim3A_55 : vector<1x384xi1>, vector<1x384xf32>
    %add3A_57 = arith.constant 1.000000e+00 : f32
    %add3A_58 = vector.broadcast %add3A_57 : f32 to vector<1x384xf32>
    %add3A_59 = arith.addf %add3A_58, %select_n3A_56 : vector<1x384xf32>
    %mul3A_60 = vector.broadcast %add3A_59 : vector<1x384xf32> to vector<32x384xf32>
    %mul3A_61 = arith.mulf %logistic3A_6, %mul3A_60 : vector<32x384xf32>
    %swap3A = arith.constant 0 : index
    %swap3A_62 = arith.constant 0 : index
    %swap3A_63 = vector.load %arg3[%swap3A, %swap3A_62] : memref<32x384xf32, #tpu.memory_space<vmem>>, vector<32x384xf32>
    tpu.vector_store %arg3[%swap3A, %swap3A_62], %mul3A_61 {strides = array<i32>} : memref<32x384xf32, #tpu.memory_space<vmem>>, vector<32x384xf32>,
    return
  }
}

module attributes {stable_mosaic.version = 14 : i64} {
  func.func @_mid_a_kernel(%arg0: memref<32x384xf32, #tpu.memory_space<vmem>>, %arg1: memref<384x384xi32, #tpu.memory_space<vmem>>, %arg2: memref<1x128xi32, #tpu.memory_space<vmem>>) attributes {dimension_semantics = [], scalar_prefetch = 0 : i64, scratch_operands = 0 : i64, tpu.core_type = #tpu.core_type<tc>} {
    %get3A = arith.constant 0 : index
    %get3A_0 = arith.constant 0 : index
    %get3A_1 = vector.load %arg0[%get3A, %get3A_0] : memref<32x384xf32, #tpu.memory_space<vmem>>, vector<32x384xf32>
    %logistic3A = arith.negf %get3A_1 : vector<32x384xf32>
    %logistic3A_2 = math.exp %logistic3A : vector<32x384xf32>
    %logistic3A_3 = arith.constant 1.000000e+00 : f32
    %logistic3A_4 = vector.broadcast %logistic3A_3 : f32 to vector<32x384xf32>
    %logistic3A_5 = arith.addf %logistic3A_4, %logistic3A_2 : vector<32x384xf32>
    %logistic3A_6 = arith.divf %logistic3A_4, %logistic3A_5 : vector<32x384xf32>
    %sub3A = arith.constant 1.000000e+00 : f32
    %sub3A_7 = vector.broadcast %sub3A : f32 to vector<32x384xf32>
    %sub3A_8 = arith.subf %sub3A_7, %logistic3A_6 : vector<32x384xf32>
    %sub3A_9 = arith.subf %sub3A_8, %logistic3A_6 : vector<32x384xf32>
    %exp3A = math.exp %sub3A_9 : vector<32x384xf32>
    %reduce_sum3A = vector.shape_cast %exp3A : vector<32x384xf32> to vector<1x32x384xf32>
    %reduce_sum3A_10 = arith.constant dense<0.000000e+00> : vector<1xf32>
    %reduce_sum3A_11 = vector.multi_reduction <add>, %reduce_sum3A, %reduce_sum3A_10 [1, 2] : vector<1x32x384xf32> to vector<1xf32>
    %reduce_sum3A_12 = vector.shape_cast %reduce_sum3A_11 : vector<1xf32> to vector<1x1x1xf32>
    %reduce_sum3A_13 = vector.extract %reduce_sum3A_12[0, 0, 0] : f32 from vector<1x1x1xf32>
    %div3A = arith.constant 3.200000e+01 : f32
    %div3A_14 = arith.divf %reduce_sum3A_13, %div3A : f32
    %floor3A = math.floor %div3A_14 : f32
    %convert_element_type3A = arith.fptosi %floor3A : f32 to i32
    %le3A = arith.constant 2 : i32
    %le3A_15 = arith.cmpi sle, %convert_element_type3A, %le3A : i32
    %jit3A = arith.constant 3 : i32
    %select_n3A = arith.select %le3A_15, %jit3A, %convert_element_type3A : i32
    %min3A = arith.constant 384 : i32
    %min3A_16 = arith.minsi %select_n3A, %min3A : i32
    %broadcast_in_dim3A = vector.broadcast %min3A_16 : i32 to vector<1x128xi32>
    %swap3A = arith.constant 0 : index
    %swap3A_17 = arith.constant 0 : index
    %swap3A_18 = vector.load %arg2[%swap3A, %swap3A_17] : memref<1x128xi32, #tpu.memory_space<vmem>>, vector<1x128xi32>
    tpu.vector_store %arg2[%swap3A, %swap3A_17], %broadcast_in_dim3A {strides = array<i32>} : memref<1x128xi32, #tpu.memory_space<vmem>>, vector<1x128xi32>,
    %broadcast_in_dim3A_19 = arith.constant 1.000000e+00 : f32
    %broadcast_in_dim3A_20 = vector.broadcast %broadcast_in_dim3A_19 : f32 to vector<32x1xf32>
    %mul3A = arith.mulf %logistic3A_6, %logistic3A_6 : vector<32x384xf32>
    %reduce_sum3A_21 = arith.constant dense<0.000000e+00> : vector<384xf32>
    %reduce_sum3A_22 = vector.multi_reduction <add>, %mul3A, %reduce_sum3A_21 [0] : vector<32x384xf32> to vector<384xf32>
    %broadcast_in_dim3A_23 = vector.shape_cast %reduce_sum3A_22 : vector<384xf32> to vector<1x384xf32>
    %mul3A_24 = arith.mulf %sub3A_8, %sub3A_8 : vector<32x384xf32>
    %dot_general3A = arith.constant dense<0.000000e+00> : vector<384x1xf32>
    %dot_general3A_25 = tpu.matmul %mul3A_24, %broadcast_in_dim3A_20, %dot_general3A {dimension_numbers = #tpu.dot_dimension_numbers<[0], [0], [1], [1], [0, 1, 1, 1], [], []>, precision = #tpu.contract_precision<fp32>, transpose_lhs_hint = false} : vector<32x384xf32>, vector<32x1xf32>, vector<384x1xf32> -> vector<384x1xf32>
    %dot_general3A_26 = arith.constant dense<0.000000e+00> : vector<384x384xf32>
    %dot_general3A_27 = tpu.matmul %sub3A_8, %logistic3A_6, %dot_general3A_26 {dimension_numbers = #tpu.dot_dimension_numbers<[0], [0], [1], [1], [0, 1, 1, 1], [], []>, precision = #tpu.contract_precision<fp32>, transpose_lhs_hint = false} : vector<32x384xf32>, vector<32x384xf32>, vector<384x384xf32> -> vector<384x384xf32>
    %mul3A_28 = arith.constant 2.000000e+00 : f32
    %mul3A_29 = vector.broadcast %mul3A_28 : f32 to vector<384x384xf32>
    %mul3A_30 = arith.mulf %mul3A_29, %dot_general3A_27 : vector<384x384xf32>
    %add3A = vector.broadcast %dot_general3A_25 : vector<384x1xf32> to vector<384x384xf32>
    %add3A_31 = arith.addf %add3A, %mul3A_30 : vector<384x384xf32>
    %add3A_32 = vector.broadcast %broadcast_in_dim3A_23 : vector<1x384xf32> to vector<384x384xf32>
    %add3A_33 = arith.addf %add3A_31, %add3A_32 : vector<384x384xf32>
    %sqrt3A = math.sqrt %add3A_33 : vector<384x384xf32>
    %bitcast_convert_type3A = tpu.bitcast %sqrt3A : vector<384x384xf32> -> vector<384x384xi32>
    %swap3A_34 = arith.constant 0 : index
    %swap3A_35 = arith.constant 0 : index
    %swap3A_36 = vector.load %arg1[%swap3A_34, %swap3A_35] : memref<384x384xi32, #tpu.memory_space<vmem>>, vector<384x384xi32>
    tpu.vector_store %arg1[%swap3A_34, %swap3A_35], %bitcast_convert_type3A {strides = array<i32>} : memref<384x384xi32, #tpu.memory_space<vmem>>, vector<384x384xi32>,
    return
  }
}

module attributes {stable_mosaic.version = 14 : i64} {
  func.func @_scale_kernel(%arg0: i32, %arg1: memref<1x1x384xf32, #tpu.memory_space<vmem>>, %arg2: memref<3136x384xf32, #tpu.memory_space<vmem>>, %arg3: memref<3136x384xf32, #tpu.memory_space<vmem>>) attributes {dimension_semantics = [#tpu.dimension_semantics<arbitrary>], iteration_bounds = array<i64: 32>, scalar_prefetch = 0 : i64, scratch_operands = 0 : i64, tpu.core_type = #tpu.core_type<tc>, window_params = [{transform_indices = @transform_0, window_bounds = array<i64: 1, 1, 384>}, {transform_indices = @transform_1, window_bounds = array<i64: 3136, 384>}, {transform_indices = @transform_2, window_bounds = array<i64: 3136, 384>}]} {
    %get3A = arith.constant 0 : index
    %get3A_0 = arith.constant 0 : index
    %get3A_1 = vector.load %arg2[%get3A, %get3A_0] : memref<3136x384xf32, #tpu.memory_space<vmem>>, vector<3136x384xf32>
    %get3A_2 = arith.constant 0 : index
    %get3A_3 = arith.constant 0 : index
    %get3A_4 = arith.constant 0 : index
    %get3A_5 = vector.load %arg1[%get3A_2, %get3A_3, %get3A_4] : memref<1x1x384xf32, #tpu.memory_space<vmem>>, vector<1x1x384xf32>
    %squeeze3A = vector.shape_cast %get3A_5 : vector<1x1x384xf32> to vector<1x384xf32>
    %mul3A = vector.broadcast %squeeze3A : vector<1x384xf32> to vector<3136x384xf32>
    %mul3A_6 = arith.mulf %get3A_1, %mul3A : vector<3136x384xf32>
    %swap3A = arith.constant 0 : index
    %swap3A_7 = arith.constant 0 : index
    %swap3A_8 = vector.load %arg3[%swap3A, %swap3A_7] : memref<3136x384xf32, #tpu.memory_space<vmem>>, vector<3136x384xf32>
    tpu.vector_store %arg3[%swap3A, %swap3A_7], %mul3A_6 {strides = array<i32>} : memref<3136x384xf32, #tpu.memory_space<vmem>>, vector<3136x384xf32>,
    return
  }
  func.func @transform_0(%arg0: i32) -> (i32, i32, i32) {
    %c0_i32 = arith.constant 0 : i32
    %c0_i32_0 = arith.constant 0 : i32
    %c0_i32_1 = arith.constant 0 : i32
    return %arg0, %c0_i32, %c0_i32_0 : i32, i32, i32
  }
  func.func @transform_1(%arg0: i32) -> (i32, i32) {
    %c0_i32 = arith.constant 0 : i32
    %c0_i32_0 = arith.constant 0 : i32
    return %arg0, %c0_i32 : i32, i32
  }
  func.func @transform_2(%arg0: i32) -> (i32, i32) {
    %c0_i32 = arith.constant 0 : i32
    %c0_i32_0 = arith.constant 0 : i32
    return %arg0, %c0_i32 : i32, i32
  }
}

</mosaic_0001>

<sc_bundles>
// kernel: kernel.7.cloned.1.call-start
scs
__scs_entry_jumppad:
0x0: {  	(pc) =	sbr.rel $0x88, $3  }
0x1: {  	(tag) =	ssettag $0x0;
	lr =	simm.s32 $0x1  }
0x2: {  	[smem:$0x3FA0] =	sst lr;
	_ =	strace $0xD0000000  }
0x3: {  	_ = 	snop  }
0x4: {  	_ = 	snop  }
0x5: {  	_ = 	snop  }
0x6: {  	_ = 	snop  }
0x7: {  	_ = 	snop  }
__scs_overlays_trampoline_lowered:
0x8: {  	[smem:$0x3FAF] =	sst s0  }
0x9: {  	[smem:$0x3FB0] =	sst s1  }
0xa: {  	[smem:$0x3FB1] =	sst s2  }
0xb: {  	[smem:$0x3FB2] =	sst s3  }
0xc: {  	[smem:$0x3FB3] =	sst s4  }
0xd: {  	[smem:$0x3FB4] =	sst s5  }
0xe: {  	[smem:$0x3FB5] =	sst s6  }
0xf: {  	[smem:$0x3FB6] =	sst s7  }
0x10: {  	[smem:$0x3FB7] =	sst s8  }
0x11: {  	[smem:$0x3FB8] =	sst s9;
	s0 =	simm.s32 @!p0 $0x0  }
0x12: {  	s1 =	sld [smem:$0x3F9E];
	s0 =	simm.s32 @p0 $0x1  }
0x13: {  	[smem:$0x3FB9] =	sst s0;
	s0 =	simm.s32 @!p1 $0x0  }
0x14: {  	s2 =	sld [smem:$0x3F9D];
	s0 =	simm.s32 @p1 $0x1  }
0x15: {  	[smem:$0x3FBA] =	sst s0;
	s0 =	simm.s32 @!p2 $0x0  }
0x16: {  	s3 =	sld [smem:$0x3FDB];
	s0 =	simm.s32 @p2 $0x1  }
0x17: {  	s4 =	simm.s32 $0x1BF5;
	[smem:$0x3FBC] =	sst s0  }
0x18: {  	s0 =	sld [smem:$0x3F9F];
	_ =	swait.ge [sflag:s4], $0x0  }
0x19: {  	s7 =	sld [smem:$0x3FA0]  }
0x1a: {  	s8 =	sadd.s32 $0xFFFFE003, lr  }
0x1b: {  	s9 =	sadd.s32 $0xFFFFFEF7, lr;
	s5 =	simm.s32 $0xFFFFFFFF;
	p2 =	slt.u32 s8, $0xFFFFF086  }
0x1c: {  	p1 =	slt.u32 s9, $0xF7A;
	s5 =	simm.s32 @!p2 $0x0  }
0x1d: {  	s5 =	simm.s32 @p1 $0x1;
	p0 =	seq.s32 s7, s2  }
0x1e: {  	s7 =	smul.u32 @!p0 $0xF7A, s2;
	p2 =	seq.s32 @!p0 s5, $0x0  }
0x1f: {  	s9 =	smul.u32 $0xF7A, s1;
	s8 =	simm.s32 @!p0 $0x1BF5;
	p2 =	por !p2, p0  }
0x20: {  	[sflag:s8] =	ssyncset.s32 @!p0 $0xFFFFF086;
	s6 =	sadd.s32 @!p0 s3, s7;
	s7 =	simm.s32 @!p0 $0x108  }
0x21: {  	s3 =	sadd.s32 s3, s9;
	s6 =	sadd.s32 @!p0 $0x88, s6;
	s7 =	simm.s32 @p2 $0x1082  }
0x22: {  	[simem:s7], [sflag:s8] =	dma.local @!p0 [hbm:s6], $0xF7A  }
0x23: {  	s9 =	sor.u32 $0xD0000000, s2;
	s6 =	simm.s32 $0x108;
	_ =	swait.ge @!p0 [sflag:s8], $0x0  }
0x24: {  	s3 =	sadd.s32 $0x88, s3;
	s6 =	simm.s32 @!p1 $0x1082;
	[sflag:s4] =	ssyncset.s32 $0xFFFFF086  }
0x25: {  	[simem:s6], [sflag:s4] =	dma.local [hbm:s3], $0xF7A  }
0x26: {  	[smem:$0x3FA0] =	sst s1;
	(tag) =	ssettag s2;
	_ =	strace s9  }
0x27: {  	s1 =	sld [smem:$0x3FB0]  }
0x28: {  	s2 =	sld [smem:$0x3FB1]  }
0x29: {  	s4 =	sld [smem:$0x3FB3]  }
0x2a: {  	p0 =	seq.s32 s5, $0x0;
	s5 =	sld [smem:$0x3FB4]  }
0x2b: {  	s6 =	sld [smem:$0x3FB5]  }
0x2c: {  	s7 =	sld [smem:$0x3FB6]  }
0x2d: {  	s3 =	simm.s32 $0x108;
	s8 =	sld [smem:$0x3FB7]  }
0x2e: {  	s3 =	simm.s32 @!p0 $0x1082;
	s9 =	sld [smem:$0x3FB8]  }
0x2f: {  	lr =	sadd.s32 s0, s3;
	s0 =	sld [smem:$0x3FAF]  }
0x30: {  	s3 =	sld [smem:$0x3FB2]  }
0x31: {  	[smem:$0x3FBB] =	sst s10  }
0x32: {  	s10 =	sld [smem:$0x3FB9];
	_ =	sdelay $0x3  }
0x33: {  	p0 =	seq.s32 s10, $0x1;
	s10 =	sld [smem:$0x3FBB];
	_ =	sdelay $0x3  }
0x34: {  	[smem:$0x3FBB] =	sst s10  }
0x35: {  	s10 =	sld [smem:$0x3FBA];
	_ =	sdelay $0x3  }
0x36: {  	p1 =	seq.s32 s10, $0x1;
	s10 =	sld [smem:$0x3FBB];
	_ =	sdelay $0x3  }
0x37: {  	[smem:$0x3FBB] =	sst s10  }
0x38: {  	s10 =	sld [smem:$0x3FBC]  }
0x39: {  	_ = 	snop;
	(pc) =	sbr.ind lr, $3  }
0x3a: {  	_ = 	snop  }
0x3b: {  	_ = 	snop  }
0x3c: {  	p2 =	seq.s32 s10, $0x1;
	s10 =	sld [smem:$0x3FBB]  }
0x3d: {  	_ =	shalt  }
0x3e: {  	_ =	shalt  }
0x3f: {  	_ =	shalt  }
0x40: {  	_ =	shalt  }
0x41: {  	_ =	shalt  }
0x42: {  	_ =	shalt  }
0x43: {  	_ =	shalt  }
0x44: {  	_ =	shalt  }
0x45: {  	_ =	shalt  }
0x46: {  	_ =	shalt  }
0x47: {  	_ =	shalt  }
0x48: {  	_ =	shalt  }
0x49: {  	_ =	shalt  }
0x4a: {  	_ =	shalt  }
0x4b: {  	_ =	shalt  }
0x4c: {  	_ =	shalt  }
0x4d: {  	_ =	shalt  }
0x4e: {  	_ =	shalt  }
0x4f: {  	_ =	shalt  }
0x50: {  	_ =	shalt  }
0x51: {  	_ =	shalt  }
0x52: {  	_ =	shalt  }
0x53: {  	_ =	shalt  }
0x54: {  	_ =	shalt  }
0x55: {  	_ =	shalt  }
0x56: {  	_ =	shalt  }
0x57: {  	_ =	shalt  }
0x58: {  	_ =	shalt  }
0x59: {  	_ =	shalt  }
0x5a: {  	_ =	shalt  }
0x5b: {  	_ =	shalt  }
0x5c: {  	_ =	shalt  }
0x5d: {  	_ =	shalt  }
0x5e: {  	_ =	shalt  }
0x5f: {  	_ =	shalt  }
0x60: {  	_ =	shalt  }
0x61: {  	_ =	shalt  }
0x62: {  	_ =	shalt  }
0x63: {  	_ =	shalt  }
0x64: {  	_ =	shalt  }
0x65: {  	_ =	shalt  }
0x66: {  	_ =	shalt  }
0x67: {  	_ =	shalt  }
0x68: {  	_ =	shalt  }
0x69: {  	_ =	shalt  }
0x6a: {  	_ =	shalt  }
0x6b: {  	_ =	shalt  }
0x6c: {  	_ =	shalt  }
0x6d: {  	_ =	shalt  }
0x6e: {  	_ =	shalt  }
0x6f: {  	_ =	shalt  }
0x70: {  	_ =	shalt  }
0x71: {  	_ =	shalt  }
0x72: {  	_ =	shalt  }
0x73: {  	_ =	shalt  }
0x74: {  	_ =	shalt  }
0x75: {  	_ =	shalt  }
0x76: {  	_ =	shalt  }
0x77: {  	_ =	shalt  }
0x78: {  	_ =	shalt  }
0x79: {  	_ =	shalt  }
0x7a: {  	_ =	shalt  }
0x7b: {  	_ =	shalt  }
0x7c: {  	_ =	shalt  }
0x7d: {  	_ =	shalt  }
0x7e: {  	_ =	shalt  }
0x7f: {  	_ =	shalt  }
0x80: {  	_ =	shalt  }
0x81: {  	_ =	shalt  }
0x82: {  	_ =	shalt  }
0x83: {  	_ =	shalt  }
0x84: {  	_ =	shalt  }
0x85: {  	_ =	shalt  }
0x86: {  	_ =	shalt  }
0x87: {  	_ =	shalt  }
.Lfunc_end0:
.L_simem_size_0:
called_computation_lowered:
.L_overlay_start_0:
0x88: {  	s2 =	sld [smem:$0x3FD9]  }
0x89: {  	s3 =	sld [smem:$0x3FFE];
	_ =	sdelay $0x1  }
0x8a: {  	s1 =	srdreg.scid  }
0x8b: {  	s0 =	sand.u32 $0x1, s1  }
0x8c: {  	s17 =	sshll.u32 s0, $0xA;
	s2 =	sadd.s32 s3, s2  }
0x8d: {  	s2 =	sadd.s32 s2, s17  }
0x8e: {  	[smem:$0x3FC7] =	sst s2  }
0x8f: {  	_ = 	snop  }
0x90: {  	s2 =	sld [smem:$0x3FD0];
	(tm) =	ssettm $0x1  }
0x91: {  	s18 =	sld [smem:$0x3FFB];
	_ =	sdelay $0x3  }
0x92: {  	_ =	strace s18  }
0x93: {  	s3 =	sld [smem:$0x3FFC];
	_ =	sdelay $0x3  }
0x94: {  	_ =	strace s3  }
0x95: {  	s3 =	sld [smem:$0x3FFD];
	_ =	sdelay $0x3  }
0x96: {  	_ =	strace s3  }
0x97: {  	_ =	strace $0x8FFFFFFF  }
0x98: {  	s19 =	sld [smem:$0x3FDB];
	_ =	sdelay $0x1  }
0x99: {  	s4 =	simm.s32 $_scs_section_size  }
0x9a: {  	s5 =	simm.s32 $_size__tile_overlayer_lowered;
	s6 =	simm.s32 $_tile_overlayer_lowered  }
0x9b: {  	s22 =	simm.s32 $0x1BFF;
	s21 =	sshll.u32 s6, $0x1;
	s3 =	sadd.s32 s4, s19  }
0x9c: {  	s7 =	simm.s32 $0x0;
	s20 =	sshll.u32 s5, $0x1;
	s5 =	sadd.s32 s21, s3  }
0x9d: {  	[timem:s7], [sflag:s22] =	dma.local [hbm:s5], s20  }
0x9e: {  	_ =	swait.ge [sflag:s22], s20  }
0x9f: {  	s4 =	ssub.s32 $0x0, s20;
	[sflag:s22] =	ssyncset.done $0x0  }
0xa0: {  	[sflag:s22] =	ssyncadd.s32 s4;
	_ =	sdelay $0x1  }
0xa1: {  	s23 =	simm.s32 $0x1B8B  }
0xa2: {  	_ =	swait.ge [sflag:s23], $0x1  }
0xa3: {  	[sflag:s23] =	ssyncset.done $0x0  }
0xa4: {  	s25 =	simm.s32 $0x1B8E;
	s24 =	sld [smem:$0x3FFE];
	[sflag:s23] =	ssyncadd.s32 $0xFFFFFFFF  }
0xa5: {  	s26 =	simm.s32 $execute0_lowered;
	[smem:$0x3FD2] =	sst s25  }
0xa6: {  	s5 =	sshll.u32 s26, $0x1;
	_ =	strace $0x80000046;
	[dreg:$0x1] =	wrdreg $0xFFFFFFFF  }
0xa7: {  	s28 =	simm.s32 $_size_execute0_lowered;
	s3 =	sadd.s32 s3, s5;
	[dreg:$0x0] =	wrdreg $0x0  }
0xa8: {  	s5 =	sshll.u32 s28, $0x1;
	[dreg:$0x2] =	wrdreg s3  }
0xa9: {  	[dreg:$0x3] =	wrdreg s5  }
0xaa: {  	[dreg:$0x4] =	wrdreg $0xC0  }
0xab: {  	_ =	task [dreg:s7], $0x5FFFF  }
0xac: {  	[dreg:$0x1] =	wrdreg $0xFFFFFFFF  }
0xad: {  	[dreg:$0x0] =	wrdreg $0x60  }
0xae: {  	[dreg:$0x2] =	wrdreg s2  }
0xaf: {  	[dreg:$0x3] =	wrdreg s24  }
0xb0: {  	[dreg:$0x4] =	wrdreg $0xC1000  }
0xb1: {  	[dreg:$0x5] =	wrdreg $0x9  }
0xb2: {  	_ =	task.clear_ibuf [dreg:s7], $0x6FFFF;
	_ =	strace $0x90000046  }
0xb3: {  	s29 =	simm.s32 $0x9;
	_ =	strace $0x80000048  }
0xb4: {  	_ =	swait.ge [sflag:s29], $0x1  }
0xb5: {  	[sflag:s29] =	ssyncadd.s32 $0xFFFFFFFF  }
0xb6: {  	_ =	strace $0x90000048  }
0xb7: {  	_ =	sfence  }
0xb8: {  	s30 =	sld [smem:$0x0];
	_ =	sdelay $0x2  }
0xb9: {  	s31 =	sshll.u32 s1, $0xD;
	s1 =	sshrl.u32 s1, $0x2  }
0xba: {  	s3 =	sand.u32 $0x4000, s31;
	s1 =	sadd.s32 s1, s30  }
0xbb: {  	s0 =	sor.u32 s3, s0;
	s1 =	sshll.u32 s1, $0x11  }
0xbc: {  	s0 =	sor.u32 s1, s0  }
0xbd: {  	s0 =	sadd.s32 $0x8F2B, s0  }
0xbe: {  	[sflag:s0] =	ssyncadd.remote.s32 $0x1  }
0xbf: {  	_ =	sfence.sel $0xFFFF  }
0xc0: {  	[dreg:$0x0] =	wrdreg $0xFFFFFFFF;
	(pc) =	sbr.abs _section_cstart, $3  }
0xc1: {  	[dreg:$0x1] =	wrdreg $0xFFFFFFFF  }
0xc2: {  	_ =	task.clear_ibuf [dreg:s7], $0x2FFFF;
	_ =	strace $0x9FFFFFFF  }
0xc3: {  	(tm) =	ssettm $0x7FFFFFFF  }
tec
execute0_lowered:
.L_overlay_start_1:
0x0: {  	(tag) =	ssettag $0x1  }
0x1: {  	s5 =	rddreg [dreg:$0x0]  }
0x2: {  	s7 =	rddreg [dreg:$0x1]  }
0x3: {  	s16 =	rddreg [dreg:$0x2]  }
0x4: {  	s1 =	srdreg.scid;
	s0 =	rddreg [dreg:$0x3];
	s2 =	simm.s32 $0x0  }
0x5: {  	s13 =	simm.s32 $0xC080;
	s20 =	simm.s32 $0x0;
	s8 =	sand.u32 $0x1, s1  }
0x6: {  	[smem:$0x7FF] =	sst s2;
	s1 =	stileid.u32;
	s4 =	sadd.s32 $0xE00, s7  }
0x7: {  	s3 =	sshll.u32 s8, $0x4;
	_ =	strace $0x80000047;
	s6 =	ssub.s32 $0x2, s8  }
0x8: {  	s29 =	sshll.u32 s1, $0x4;
	p0 =	seq.s32 s1, $0x0;
	p1 =	seq.s32 s8, $0x1  }
0x9: {  	s12 =	sor.u32 s8, s1;
	s30 =	sand.u32 $0x7, s1;
	s9 =	sor.u32 s1, s3  }
0xa: {  	s3 =	sadd.s32 $0xC00, s7;
	s10 =	sshrl.u32 s6, $0x1;
	p0 =	por !p0, !p1  }
0xb: {  	s7 =	sadd.s32 $0xE20, s7;
	s31 =	sshll.u32 s30, $0x4;
	p2 =	sne.s32 s12, $0x0  }
0xc: {  	s12 =	simm.s32 $0xC000;
	s11 =	sshll.u32 s9, $0x4;
	s17 =	sor.u32 $0x200, s31  }
.Ltmp0:
0xd: {  	s10 =	ssub.s32 s6, s10;
	s6 =	sadd.s32 s29, s16;
	v1 =	vmov s17;
	(pc) =	sbr.rel .LBB2_1-.Ltmp0, $4  }
0xe: {  	p0 =	por !p0, !p0;
	p1 =	sgt.u32 s9, $0x17;
	s9 =	simm.s32 $0x400  }
0xf: {  	s14 =	sshll.u32 @!p2 s1, $0x6;
	s15 =	sshrl.u32 @!p2 s16, $0x3;
	s28 =	sand.u32 $0x180, s11  }
0x10: {  	s8 =	smax.u32 s10, $0x1;
	s10 =	simm.s32 $0xC00;
	s11 =	simm.s32 $0x1  }
0x11: {  	v0 =	vimm.s32 $0x0;
	s14 =	sor.u32 @!p2 $0x1C01, s14;
	s16 =	sshrl.u32 @p0 s16, $0x3;
	s5 =	sadd.s32 s5, s28  }
.LBB2_7:
0x12: {  	[bflag:$0x0] =	sbarrier.arrive $0xFFFF;
	s17 =	simm.s32 @!p2 $0x1  }
0x13: {  	[hbm:s4], [sflag:s14] =	dma.local @!p2 [spmem:s15], $0x20  }
0x14: {  	_ =	swait.ge @!p2 [sflag:s17], $0x20  }
0x15: {  	s2 =	sadd.s32 $0x1, s2;
	[sflag:s17] =	ssyncset.done @!p2 $0x0  }
0x16: {  	p3 =	sne.s32 s2, s8;
	[sflag:s17] =	ssyncadd.s32 @!p2 $0xFFFFFFE0;
	s17 =	simm.s32 @p0 $0x1C01  }
0x17: {  	[hbm:s7], [sflag:s17] =	dma.local @p0 [spmem:s16], $0x10  }
.Ltmp1:
0x18: {  	_ = 	snop;
	(pc) =	sbr.rel @!p3 .LBB2_8-.Ltmp1, $4  }
0x19: {  	s17 =	simm.s32 @p0 $0x1  }
0x1a: {  	_ =	swait.ge @p0 [sflag:s17], $0x10  }
0x1b: {  	[sflag:s17] =	ssyncset.done @p0 $0x0  }
0x1c: {  	[sflag:s17] =	ssyncadd.s32 @p0 $0xFFFFFFF0  }
.LBB2_1:
.Ltmp2:
0x1d: {  	(pc) =	sbr.rel @p1 .LBB2_7-.Ltmp2, $1  }
0x1e: {  	_ =	sdelay $0x3  }
0x1f: {  	s17 =	simm.s32 $0x0  }
0x20: {  	[tilespmem:s17], [sflag:$0x1] =	stream.strided.gather [hbm4b:s5+s9], $0xC000, s10, s9, $0x38;
	[tilespmem:$0xC110] =	vst v63  }
0x21: {  	_ =	swait.ge [sflag:s11], $0xC000  }
0x22: {  	[sflag:s11] =	ssyncset.done $0x0  }
0x23: {  	[sflag:s11] =	ssyncadd.s32 $0xFFFF4000  }
0x24: {  	[tilespmem:s12], [sflag:$0x1] =	stream.linear.gather [hbm4b:s3+s17], $0x10, $0x38;
	[tilespmem:$0xC110] =	vst v63  }
0x25: {  	_ =	swait.ge [sflag:s11], $0x10  }
0x26: {  	[sflag:s11] =	ssyncset.done $0x0  }
0x27: {  	[sflag:s11] =	ssyncadd.s32 $0xFFFFFFF0  }
0x28: {  	v3 =	vimm.s32 $0x0;
	v2 =	vimm.s32 $0x7F7FFFFF;
	v4 =	vld [tilespmem:$0xC000]  }
.LBB2_3:
0x29: {  	_ =	sdelay $0x3  }
0x2a: {  	v6 =	vld.idx.msk [tilespmem:v1+s20+$0xFFFFFE00 ss:$0x1], $0xffff  }
0x2b: {  	v8 =	vld.idx.msk [tilespmem:v1+s20+$0xFFFFFE80 ss:$0x1], $0xffff  }
0x2c: {  	v11 =	vld.idx.msk [tilespmem:v1+s20+$0xFFFFFF00 ss:$0x1], $0xffff  }
0x2d: {  	v5 =	vsub.s32 v2, v3;
	v10 =	vld.idx.msk [tilespmem:v1+s20+$0xFFFFFF80 ss:$0x1], $0xffff  }
0x2e: {  	v9 =	vld.idx.msk [tilespmem:v1+s20+$0x0 ss:$0x1], $0xffff;
	v5 =	vshrl.u32 v5, $0x1  }
0x2f: {  	v7 =	vld.idx.msk [tilespmem:v1+s20+$0x80 ss:$0x1], $0xffff;
	v5 =	vadd.s32 v3, v5  }
0x30: {  	vm0 =	vle.s32 v6, v5;
	v6 =	vld.idx.msk [tilespmem:v1+s20+$0x100 ss:$0x1], $0xffff  }
0x31: {  	s18 =	simm.s32 $0x400;
	s19 =	simm.s32 $0x2000;
	v13 =	vimm.s32 $0x0;
	v12 =	vsel vm0, $0x1, v0;
	vm0 =	vle.s32 v8, v5;
	v8 =	vld.idx.msk [tilespmem:v1+s20+$0x180 ss:$0x1], $0xffff  }
.LBB2_4:
0x32: {  	p3 =	sne.s32 s19, $0x2F000;
	v14 =	vld.idx.msk [tilespmem:v1+s18+$0xFFFFFE00 ss:$0x1], $0xffff;
	v12 =	vadd.s32 v12, v13;
	v13 =	vsel vm0, $0x1, v0;
	vm0 =	vle.s32 v11, v5  }
0x33: {  	v15 =	vld.idx.msk [tilespmem:v1+s18+$0xFFFFFE80 ss:$0x1], $0xffff;
	v12 =	vadd.s32 v13, v12;
	v13 =	vsel vm0, $0x1, v0;
	vm0 =	vle.s32 v10, v5  }
0x34: {  	v11 =	vld.idx.msk [tilespmem:v1+s18+$0xFFFFFF00 ss:$0x1], $0xffff;
	v12 =	vadd.s32 v13, v12;
	v13 =	vsel vm0, $0x1, v0;
	vm0 =	vle.s32 v9, v5  }
.Ltmp3:
0x35: {  	v10 =	vld.idx.msk [tilespmem:v1+s18+$0xFFFFFF80 ss:$0x1], $0xffff;
	v12 =	vadd.s32 v13, v12;
	v13 =	vsel vm0, $0x1, v0;
	vm0 =	vle.s32 v7, v5;
	(pc) =	sbr.rel @p3 .LBB2_4-.Ltmp3, $4  }
0x36: {  	v9 =	vld.idx.msk [tilespmem:v1+s18+$0x0 ss:$0x1], $0xffff;
	v12 =	vadd.s32 v13, v12;
	v13 =	vsel vm0, $0x1, v0;
	vm0 =	vle.s32 v6, v5  }
0x37: {  	v7 =	vld.idx.msk [tilespmem:v1+s18+$0x80 ss:$0x1], $0xffff;
	v12 =	vadd.s32 v13, v12;
	v13 =	vsel vm0, $0x1, v0;
	vm0 =	vle.s32 v8, v5  }
0x38: {  	vm1 =	vle.s32 v14, v5;
	v6 =	vld.idx.msk [tilespmem:v1+s18+$0x100 ss:$0x1], $0xffff;
	v13 =	vadd.s32 v13, v12;
	v14 =	vsel vm0, $0x1, v0  }
0x39: {  	v12 =	vsel vm1, $0x1, v0;
	vm0 =	vle.s32 v15, v5;
	v8 =	vld.idx.msk [tilespmem:v1+s18+$0x180 ss:$0x1], $0xffff;
	s18 =	sshra.s32 s19, $0x2;
	s19 =	sadd.s32 $0x1000, s19;
	v13 =	vadd.s32 v14, v13  }
0x3a: {  	_ =	sdelay $0x2  }
0x3b: {  	v12 =	vadd.s32 v12, v13;
	v45 =	vsel vm0, $0x1, v0;
	vm14 =	vle.s32 v11, v5  }
0x3c: {  	v46 =	vld.idx.msk [tilespmem:v1+s18+$0xFFFFFE00 ss:$0x1], $0xffff;
	vm15 =	vle.s32 v10, v5;
	v12 =	vadd.s32 v45, v12;
	v47 =	vsel vm14, $0x1, v0  }
0x3d: {  	v48 =	vld.idx.msk [tilespmem:v1+s18+$0xFFFFFE80 ss:$0x1], $0xffff;
	v49 =	vsel vm15, $0x1, v0;
	vm4 =	vle.s32 v9, v5;
	v12 =	vadd.s32 v47, v12  }
0x3e: {  	v50 =	vld.idx.msk [tilespmem:v1+s18+$0xFFFFFF00 ss:$0x1], $0xffff;
	v51 =	vsel vm4, $0x1, v0;
	vm5 =	vle.s32 v7, v5;
	v12 =	vadd.s32 v49, v12  }
0x3f: {  	v7 =	vld.idx.msk [tilespmem:v1+s18+$0xFFFFFF80 ss:$0x1], $0xffff;
	v52 =	vsel vm5, $0x1, v0;
	vm6 =	vle.s32 v6, v5;
	v12 =	vadd.s32 v51, v12  }
0x40: {  	v6 =	vld.idx.msk [tilespmem:v1+s18+$0x0 ss:$0x1], $0xffff;
	v53 =	vsel vm6, $0x1, v0;
	vm7 =	vle.s32 v8, v5;
	v12 =	vadd.s32 v52, v12  }
0x41: {  	v54 =	vld.idx.msk [tilespmem:v1+s18+$0x80 ss:$0x1], $0xffff;
	vm1 =	vle.s32 v46, v5;
	v56 =	vsel vm7, $0x1, v0;
	v55 =	vadd.s32 v53, v12  }
0x42: {  	v57 =	vld.idx.msk [tilespmem:v1+s18+$0x100 ss:$0x1], $0xffff;
	vm8 =	vle.s32 v48, v5;
	v14 =	vsel vm1, $0x1, v0;
	v58 =	vadd.s32 v56, v55  }
0x43: {  	v59 =	vld.idx.msk [tilespmem:v1+s18+$0x180 ss:$0x1], $0xffff;
	vm9 =	vle.s32 v50, v5;
	v60 =	vsel vm8, $0x1, v0;
	v10 =	vadd.s32 v14, v58  }
0x44: {  	v62 =	vsel vm9, $0x1, v0;
	vm10 =	vle.s32 v7, v5;
	v61 =	vadd.s32 v60, v10  }
0x45: {  	v63 =	vsel vm10, $0x1, v0;
	vm11 =	vle.s32 v6, v5;
	v7 =	vadd.s32 v62, v61  }
0x46: {  	s17 =	sadd.s32 $0x1, s17;
	vm12 =	vle.s32 v54, v5;
	v6 =	vadd.s32 v63, v7;
	v7 =	vsel vm11, $0x1, v0  }
0x47: {  	p3 =	sne.s32 s17, $0x1F;
	vm13 =	vle.s32 v57, v5;
	v6 =	vadd.s32 v7, v6;
	v7 =	vsel vm12, $0x1, v0  }
.Ltmp4:
0x48: {  	vm14 =	vle.s32 v59, v5;
	v6 =	vadd.s32 v7, v6;
	v7 =	vsel vm13, $0x1, v0;
	(pc) =	sbr.rel @p3 .LBB2_3-.Ltmp4, $4  }
0x49: {  	v6 =	vadd.s32 v7, v6;
	v7 =	vsel vm14, $0x1, v0  }
0x4a: {  	v6 =	vadd.s32 v7, v6  }
0x4b: {  	vm15 =	vlt.s32 v6, v4;
	v6 =	vadd.s32 $0x1, v5  }
0x4c: {  	v3 =	vsel vm15, v6, v3;
	v2 =	vsel vm15, v2, v5  }
.Ltmp5:
0x4d: {  	[tilespmem:$0xC080] =	vst v2;
	(pc) =	sbr.rel .LBB2_7-.Ltmp5, $4  }
0x4e: {  	[spmem:s6] =	stream.linear.scatter [tilespmem:s13], [sflag:$0x1], $0x10, $0x38;
	[tilespmem:$0xC110] =	vst v63  }
0x4f: {  	_ =	swait.ge [sflag:s11], $0x10  }
0x50: {  	[sflag:s11] =	ssyncset.done $0x0  }
0x51: {  	[sflag:s11] =	ssyncadd.s32 $0xFFFFFFF0  }
.LBB2_8:
0x52: {  	_ =	sfence.sel $0x180000  }
0x53: {  	[bflag:$0x0] =	sbarrier.arrive $0xFFFF  }
0x54: {  	p0 =	sne.s32 s1, $0x0;
	_ =	strace $0x90000047  }
0x55: {  	s0 =	sadd.s32 @!p0 $0x100000, s0;
	[bflag:$0x2] =	sbarrier.arrive $0xFFFF  }
0x56: {  	[sflag:s0] =	ssyncadd.tile.s32 @!p0 $0x1;
	_ =	shalt  }
.Lfunc_end2:
_tile_overlayer_lowered:
.L_overlay_start_2:
0x57: {  	(tag) =	ssettag $0x2  }
0x58: {  	s0 =	rddreg [dreg:$0x0];
	s2 =	stileid.u32  }
0x59: {  	s1 =	rddreg [dreg:$0x1];
	p0 =	sne.s32 s2, $0x0  }
0x5a: {  	s3 =	rddreg [dreg:$0x2];
	[bflag:$0x3] =	sbarrier.arrive $0xFFFF;
	s2 =	simm.s32 @!p0 $0x1C01  }
0x5b: {  	[timem:s3], [sflag:s2] =	dma.local @!p0 [hbm:s0], s1  }
0x5c: {  	s0 =	simm.s32 @!p0 $0x1  }
0x5d: {  	_ =	swait.ge @!p0 [sflag:s0], s1  }
0x5e: {  	s1 =	ssub.s32 @!p0 $0x0, s1;
	[sflag:s0] =	ssyncset.done @!p0 $0x0  }
0x5f: {  	[sflag:s0] =	ssyncadd.s32 @!p0 s1  }
0x60: {  	[bflag:$0x3] =	sbarrier.arrive $0xFFFF  }
0x61: {  	_ =	shalt  }

</sc_bundles>
